<compile_context>
chip_gen: v7x
topology: tpu7x:2x2x1
jax: 0.10.2.dev20260603
libtpu: 0.0.44.dev20260713+nightly
codegen_flags: <defaults>
</compile_context>

<pallas_src>
import functools

import jax
import jax.numpy as jnp
from jax import lax
from jax.experimental import pallas as pl
from jax.experimental.pallas import tpu as pltpu
from jax.experimental.pallas import tpu_sc as plsc

_CHUNK = 4096
_UNROLL = 8


def kernel(inputs, class_bias, global_bias):
    B, F = inputs.shape
    _, V = class_bias.shape
    info = plsc.get_sparse_core_info()
    NC = info.num_cores
    n_chunks = B // _CHUNK
    mesh = plsc.VectorSubcoreMesh(core_axis_name="c", subcore_axis_name="s")

    @functools.partial(
        pl.kernel,
        out_type=jax.ShapeDtypeStruct((F, B), jnp.float32),
        mesh=mesh,
        compiler_params=pltpu.CompilerParams(needs_layout_passes=False),
        scratch_types=[
            pltpu.VMEM((V,), jnp.float32),
            pltpu.VMEM((B,), jnp.int32),
            pltpu.VMEM((2 * _CHUNK,), jnp.float32),
            pltpu.VMEM((16,), jnp.float32),
            pltpu.SemaphoreType.DMA,
            pltpu.SemaphoreType.DMA,
            pltpu.SemaphoreType.DMA,
            pltpu.SemaphoreType.DMA,
        ],
    )
    def k(idx_hbm, cb_hbm, gb_hbm, out_hbm, tab_v, idx_v, out_v, gbs_v,
          sem_t, sem_i, sem_o0, sem_o1):
        wid = lax.axis_index("s") * NC + lax.axis_index("c")

        @pl.when(wid < F)
        def _():
            cp_tab = pltpu.make_async_copy(cb_hbm.at[wid], tab_v, sem_t)
            cp_tab.start()
            cp_idx = pltpu.make_async_copy(idx_hbm.at[wid], idx_v, sem_i)
            cp_idx.start()
            pltpu.async_copy(
                gb_hbm.at[jnp.full((16,), wid, jnp.int32)], gbs_v,
                sem_o0).wait()
            gbv = gbs_v[...]
            cp_idx.wait()
            cp_tab.wait()

            out_sems = (sem_o0, sem_o1)
            out_cps = []
            for c in range(n_chunks):
                base = (c % 2) * _CHUNK
                if c >= 2:
                    out_cps[c - 2].wait()

                @plsc.parallel_loop(0, _CHUNK, step=16, unroll=_UNROLL)
                def body(s, c=c, base=base):
                    iv = idx_v[pl.ds(c * _CHUNK + s, 16)]
                    out_v[pl.ds(base + s, 16)] = (
                        plsc.load_gather(tab_v, [iv]) + gbv)
                cp = pltpu.make_async_copy(
                    out_v.at[pl.ds(base, _CHUNK)],
                    out_hbm.at[wid, pl.ds(c * _CHUNK, _CHUNK)],
                    out_sems[c % 2])
                cp.start()
                out_cps.append(cp)
            out_cps[n_chunks - 2].wait()
            out_cps[n_chunks - 1].wait()

    idx_t = inputs.astype(jnp.int32).T
    out_t = k(idx_t, class_bias, global_bias)
    return out_t.T

# --- scband reference (transcript-rebuilt; emitter-appended) ---
"""Pipeline reference for scband-univariate-one-hot-encoding-layer-18210661335091 (READ-ONLY COPY).

The authoritative reference and input builder live on the scoring server;
editing this copy changes nothing except your own understanding.
"""

import jax, jax.numpy as jnp
import numpy as np

B = 16384
F = 26
V = 100000

def setup_inputs(seed: int = 0) -> dict:
    key = jax.random.key(seed)
    k_idx, k_cb, k_gb = jax.random.split(key, 3)
    inputs = jax.random.randint(k_idx, (B, F), 0, V, dtype=jnp.int64)
    # learned per-class scalar biases: one table of shape (V, 1) per field, stacked as (F, V)
    class_bias = jax.random.normal(k_cb, (F, V), dtype=jnp.float32) * 0.05
    # global bias: one scalar per field (torch shape (1,1) per field), stacked as (F,)
    global_bias = jax.random.normal(k_gb, (F,), dtype=jnp.float32) * 0.05
    return {"inputs": inputs, "class_bias": class_bias, "global_bias": global_bias}

def reference(inputs, class_bias, global_bias):
    # torch: one_hot(inputs[:, i], V) @ class_bias_i + global_bias_i  ==  class_bias_i[inputs[:, i]] + global_bias_i
    outs = []
    for i in range(F):
        idx = inputs[:, i].astype(jnp.int32)
        col = jnp.take(class_bias[i], idx, axis=0) + global_bias[i]  # [B]
        outs.append(col)
    out = jnp.stack(outs, axis=1)  # hstack of [B,1] columns -> [B, F]; squeeze is a no-op here
    return out

if __name__ == "__main__":
    import jax
    _d = setup_inputs()
    print(jax.jit(kernel)(*tuple(_d.values())))

</pallas_src>

<mosaic_0001>
#map = affine_map<(d0, d1) -> (0, 0)>
#map1 = affine_map<(d0, d1) -> (0)>
module attributes {stable_mosaic.version = 14 : i64} {
  func.func @k(%arg0: i32, %arg1: i32, %arg2: memref<26x16384xi32, #tpu.memory_space<hbm>>, %arg3: memref<26x100000xf32, #tpu.memory_space<hbm>>, %arg4: memref<26xf32, #tpu.memory_space<hbm>>, %arg5: memref<26x16384xf32, #tpu.memory_space<hbm>>, %arg6: memref<100000xf32, #tpu.memory_space<vmem>>, %arg7: memref<16384xi32, #tpu.memory_space<vmem>>, %arg8: memref<8192xf32, #tpu.memory_space<vmem>>, %arg9: memref<16xf32, #tpu.memory_space<vmem>>, %arg10: memref<!tpu.dma_semaphore, #tpu.memory_space<semaphore_mem>>, %arg11: memref<!tpu.dma_semaphore, #tpu.memory_space<semaphore_mem>>, %arg12: memref<!tpu.dma_semaphore, #tpu.memory_space<semaphore_mem>>, %arg13: memref<!tpu.dma_semaphore, #tpu.memory_space<semaphore_mem>>) attributes {dimension_semantics = [#tpu.dimension_semantics<core_parallel>, #tpu.dimension_semantics<subcore_parallel>], iteration_bounds = array<i64: 2, 16>, scalar_prefetch = 0 : i64, scratch_operands = 8 : i64, tpu.core_type = #tpu.core_type<sc_vector_subcore>, window_params = [{transform_indices = #map}, {transform_indices = #map}, {transform_indices = #map1}, {transform_indices = #map}]} {
    %mul3A = arith.constant 2 : i32
    %mul3A_0 = arith.muli %arg1, %mul3A : i32
    %add3A = arith.addi %mul3A_0, %arg0 : i32
    %lt3A = arith.constant 26 : i32
    %lt3A_1 = arith.cmpi slt, %add3A, %lt3A : i32
    %convert_element_type3A = arith.extui %lt3A_1 : i1 to i32
    %cond3A = arith.constant 0 : i32
    %cond3A_2 = arith.cmpi ne, %convert_element_type3A, %cond3A : i32
    scf.if %cond3A_2 {
      %dma_start3A = arith.constant 0 : i32
      %dma_start3A_3 = tpu.memref_slice %arg3[%add3A, %dma_start3A] : memref<26x100000xf32, #tpu.memory_space<hbm>> -> memref<1x100000xf32, #tpu.memory_space<hbm>>
      %dma_start3A_4 = tpu.memref_squeeze %dma_start3A_3 : memref<1x100000xf32, #tpu.memory_space<hbm>> -> memref<100000xf32, #tpu.memory_space<hbm>>
      %dma_start3A_5 = arith.constant 0 : i32
      %dma_start3A_6 = tpu.memref_slice %arg3[%add3A, %dma_start3A_5] : memref<26x100000xf32, #tpu.memory_space<hbm>> -> memref<1x100000xf32, #tpu.memory_space<hbm>>
      %dma_start3A_7 = tpu.memref_squeeze %dma_start3A_6 : memref<1x100000xf32, #tpu.memory_space<hbm>> -> memref<100000xf32, #tpu.memory_space<hbm>>
      tpu.enqueue_dma source(%dma_start3A_7 : memref<100000xf32, #tpu.memory_space<hbm>>) target(%arg6 : memref<100000xf32, #tpu.memory_space<vmem>>) target_semaphore(%arg10 : memref<!tpu.dma_semaphore, #tpu.memory_space<semaphore_mem>>)
      %dma_start3A_8 = arith.constant 0 : i32
      %dma_start3A_9 = tpu.memref_slice %arg2[%add3A, %dma_start3A_8] : memref<26x16384xi32, #tpu.memory_space<hbm>> -> memref<1x16384xi32, #tpu.memory_space<hbm>>
      %dma_start3A_10 = tpu.memref_squeeze %dma_start3A_9 : memref<1x16384xi32, #tpu.memory_space<hbm>> -> memref<16384xi32, #tpu.memory_space<hbm>>
      %dma_start3A_11 = arith.constant 0 : i32
      %dma_start3A_12 = tpu.memref_slice %arg2[%add3A, %dma_start3A_11] : memref<26x16384xi32, #tpu.memory_space<hbm>> -> memref<1x16384xi32, #tpu.memory_space<hbm>>
      %dma_start3A_13 = tpu.memref_squeeze %dma_start3A_12 : memref<1x16384xi32, #tpu.memory_space<hbm>> -> memref<16384xi32, #tpu.memory_space<hbm>>
      tpu.enqueue_dma source(%dma_start3A_13 : memref<16384xi32, #tpu.memory_space<hbm>>) target(%arg7 : memref<16384xi32, #tpu.memory_space<vmem>>) target_semaphore(%arg11 : memref<!tpu.dma_semaphore, #tpu.memory_space<semaphore_mem>>)
      %broadcast_in_dim3A = vector.broadcast %add3A : i32 to vector<16xi32>
      %dma_start3A_14 = arith.constant 0 : i32
      %dma_start3A_15 = tpu.memref_slice %arg4[%dma_start3A_14] : memref<26xf32, #tpu.memory_space<hbm>> -> memref<26xf32, #tpu.memory_space<hbm>>
      tpu.enqueue_indirect_dma source(%dma_start3A_15 : memref<26xf32, #tpu.memory_space<hbm>>) target(%arg9 : memref<16xf32, #tpu.memory_space<vmem>>) offsets(%broadcast_in_dim3A : vector<16xi32>) semaphore(%arg12 : memref<!tpu.dma_semaphore, #tpu.memory_space<semaphore_mem>>)
      %dma_wait3A = arith.constant 0 : i32
      %dma_wait3A_16 = tpu.memref_slice %arg4[%dma_wait3A] : memref<26xf32, #tpu.memory_space<hbm>> -> memref<26xf32, #tpu.memory_space<hbm>>
      tpu.wait_indirect_dma semaphore(%arg12 : memref<!tpu.dma_semaphore, #tpu.memory_space<semaphore_mem>>) src(%dma_wait3A_16 : memref<26xf32, #tpu.memory_space<hbm>>) dst(%arg9 : memref<16xf32, #tpu.memory_space<vmem>>)
      %get3A = arith.constant 0 : index
      %get3A_17 = tpu.vector_load %arg9[%get3A] {strides = array<i32>} : memref<16xf32, #tpu.memory_space<vmem>>, vector<16xf32>,
      %dma_wait3A_18 = arith.constant 0 : i32
      %dma_wait3A_19 = tpu.memref_slice %arg2[%add3A, %dma_wait3A_18] : memref<26x16384xi32, #tpu.memory_space<hbm>> -> memref<1x16384xi32, #tpu.memory_space<hbm>>
      %dma_wait3A_20 = tpu.memref_squeeze %dma_wait3A_19 : memref<1x16384xi32, #tpu.memory_space<hbm>> -> memref<16384xi32, #tpu.memory_space<hbm>>
      %dma_wait3A_21 = arith.constant 0 : i32
      %dma_wait3A_22 = tpu.memref_slice %arg2[%add3A, %dma_wait3A_21] : memref<26x16384xi32, #tpu.memory_space<hbm>> -> memref<1x16384xi32, #tpu.memory_space<hbm>>
      %dma_wait3A_23 = tpu.memref_squeeze %dma_wait3A_22 : memref<1x16384xi32, #tpu.memory_space<hbm>> -> memref<16384xi32, #tpu.memory_space<hbm>>
      tpu.wait_dma2 semaphore(%arg11 : memref<!tpu.dma_semaphore, #tpu.memory_space<semaphore_mem>>) src(%dma_wait3A_23 : memref<16384xi32, #tpu.memory_space<hbm>>) dst(%arg7 : memref<16384xi32, #tpu.memory_space<vmem>>)
      %dma_wait3A_24 = arith.constant 0 : i32
      %dma_wait3A_25 = tpu.memref_slice %arg3[%add3A, %dma_wait3A_24] : memref<26x100000xf32, #tpu.memory_space<hbm>> -> memref<1x100000xf32, #tpu.memory_space<hbm>>
      %dma_wait3A_26 = tpu.memref_squeeze %dma_wait3A_25 : memref<1x100000xf32, #tpu.memory_space<hbm>> -> memref<100000xf32, #tpu.memory_space<hbm>>
      %dma_wait3A_27 = arith.constant 0 : i32
      %dma_wait3A_28 = tpu.memref_slice %arg3[%add3A, %dma_wait3A_27] : memref<26x100000xf32, #tpu.memory_space<hbm>> -> memref<1x100000xf32, #tpu.memory_space<hbm>>
      %dma_wait3A_29 = tpu.memref_squeeze %dma_wait3A_28 : memref<1x100000xf32, #tpu.memory_space<hbm>> -> memref<100000xf32, #tpu.memory_space<hbm>>
      tpu.wait_dma2 semaphore(%arg10 : memref<!tpu.dma_semaphore, #tpu.memory_space<semaphore_mem>>) src(%dma_wait3A_29 : memref<100000xf32, #tpu.memory_space<hbm>>) dst(%arg6 : memref<100000xf32, #tpu.memory_space<vmem>>)
      %parallel_loop3A = arith.constant 0 : i32
      %parallel_loop3A_30 = arith.constant 4096 : i32
      %parallel_loop3A_31 = arith.constant 16 : i32
      scf.for %parallel_loop3A_121 = %parallel_loop3A to %parallel_loop3A_30 step %parallel_loop3A_31  : i32 {
        %parallel_loop3A_122 = arith.constant 0 : i32
        %parallel_loop3A_123 = arith.addi %parallel_loop3A_122, %parallel_loop3A_121 : i32
        %parallel_loop3A_124 = arith.index_cast %parallel_loop3A_123 : i32 to index
        %parallel_loop3A_125 = tpu.vector_load %arg7[%parallel_loop3A_124] {strides = array<i32>} : memref<16384xi32, #tpu.memory_space<vmem>>, vector<16xi32>,
        %parallel_loop3A_126 = tpu.vector_load_idx %arg6[%parallel_loop3A_125] : memref<100000xf32, #tpu.memory_space<vmem>>[vector<16xi32>], vector<16xf32>,
        %parallel_loop3A_127 = arith.addf %parallel_loop3A_126, %get3A_17 : vector<16xf32>
        %parallel_loop3A_128 = arith.constant 0 : i32
        %parallel_loop3A_129 = arith.addi %parallel_loop3A_128, %parallel_loop3A_121 : i32
        %parallel_loop3A_130 = arith.index_cast %parallel_loop3A_129 : i32 to index
        %parallel_loop3A_131 = tpu.vector_load %arg8[%parallel_loop3A_130] {strides = array<i32>} : memref<8192xf32, #tpu.memory_space<vmem>>, vector<16xf32>,
        tpu.vector_store %arg8[%parallel_loop3A_130], %parallel_loop3A_127 {strides = array<i32>} : memref<8192xf32, #tpu.memory_space<vmem>>, vector<16xf32>,
      } {sc.loop_unroll_factor = 8 : i64, sc.parallel_access}
      %dma_start3A_32 = arith.constant 0 : i32
      %dma_start3A_33 = tpu.memref_slice %arg8[%dma_start3A_32] : memref<8192xf32, #tpu.memory_space<vmem>> -> memref<4096xf32, #tpu.memory_space<vmem>>
      %dma_start3A_34 = arith.constant 0 : i32
      %dma_start3A_35 = tpu.memref_slice %arg5[%add3A, %dma_start3A_34] : memref<26x16384xf32, #tpu.memory_space<hbm>> -> memref<1x4096xf32, #tpu.memory_space<hbm>>
      %dma_start3A_36 = tpu.memref_squeeze %dma_start3A_35 : memref<1x4096xf32, #tpu.memory_space<hbm>> -> memref<4096xf32, #tpu.memory_space<hbm>>
      %dma_start3A_37 = arith.constant 0 : i32
      %dma_start3A_38 = tpu.memref_slice %arg5[%add3A, %dma_start3A_37] : memref<26x16384xf32, #tpu.memory_space<hbm>> -> memref<1x4096xf32, #tpu.memory_space<hbm>>
      %dma_start3A_39 = tpu.memref_squeeze %dma_start3A_38 : memref<1x4096xf32, #tpu.memory_space<hbm>> -> memref<4096xf32, #tpu.memory_space<hbm>>
      %dma_start3A_40 = arith.constant 0 : i32
      %dma_start3A_41 = tpu.memref_slice %arg8[%dma_start3A_40] : memref<8192xf32, #tpu.memory_space<vmem>> -> memref<4096xf32, #tpu.memory_space<vmem>>
      tpu.enqueue_dma source(%dma_start3A_41 : memref<4096xf32, #tpu.memory_space<vmem>>) target(%dma_start3A_39 : memref<4096xf32, #tpu.memory_space<hbm>>) target_semaphore(%arg12 : memref<!tpu.dma_semaphore, #tpu.memory_space<semaphore_mem>>)
      %parallel_loop3A_42 = arith.constant 0 : i32
      %parallel_loop3A_43 = arith.constant 4096 : i32
      %parallel_loop3A_44 = arith.constant 16 : i32
      scf.for %parallel_loop3A_121 = %parallel_loop3A_42 to %parallel_loop3A_43 step %parallel_loop3A_44  : i32 {
        %parallel_loop3A_122 = arith.constant 4096 : i32
        %parallel_loop3A_123 = arith.addi %parallel_loop3A_122, %parallel_loop3A_121 : i32
        %parallel_loop3A_124 = arith.index_cast %parallel_loop3A_123 : i32 to index
        %parallel_loop3A_125 = tpu.vector_load %arg7[%parallel_loop3A_124] {strides = array<i32>} : memref<16384xi32, #tpu.memory_space<vmem>>, vector<16xi32>,
        %parallel_loop3A_126 = tpu.vector_load_idx %arg6[%parallel_loop3A_125] : memref<100000xf32, #tpu.memory_space<vmem>>[vector<16xi32>], vector<16xf32>,
        %parallel_loop3A_127 = arith.addf %parallel_loop3A_126, %get3A_17 : vector<16xf32>
        %parallel_loop3A_128 = arith.constant 4096 : i32
        %parallel_loop3A_129 = arith.addi %parallel_loop3A_128, %parallel_loop3A_121 : i32
        %parallel_loop3A_130 = arith.index_cast %parallel_loop3A_129 : i32 to index
        %parallel_loop3A_131 = tpu.vector_load %arg8[%parallel_loop3A_130] {strides = array<i32>} : memref<8192xf32, #tpu.memory_space<vmem>>, vector<16xf32>,
        tpu.vector_store %arg8[%parallel_loop3A_130], %parallel_loop3A_127 {strides = array<i32>} : memref<8192xf32, #tpu.memory_space<vmem>>, vector<16xf32>,
      } {sc.loop_unroll_factor = 8 : i64, sc.parallel_access}
      %dma_start3A_45 = arith.constant 4096 : i32
      %dma_start3A_46 = tpu.memref_slice %arg8[%dma_start3A_45] : memref<8192xf32, #tpu.memory_space<vmem>> -> memref<4096xf32, #tpu.memory_space<vmem>>
      %dma_start3A_47 = arith.constant 4096 : i32
      %dma_start3A_48 = tpu.memref_slice %arg5[%add3A, %dma_start3A_47] : memref<26x16384xf32, #tpu.memory_space<hbm>> -> memref<1x4096xf32, #tpu.memory_space<hbm>>
      %dma_start3A_49 = tpu.memref_squeeze %dma_start3A_48 : memref<1x4096xf32, #tpu.memory_space<hbm>> -> memref<4096xf32, #tpu.memory_space<hbm>>
      %dma_start3A_50 = arith.constant 4096 : i32
      %dma_start3A_51 = tpu.memref_slice %arg5[%add3A, %dma_start3A_50] : memref<26x16384xf32, #tpu.memory_space<hbm>> -> memref<1x4096xf32, #tpu.memory_space<hbm>>
      %dma_start3A_52 = tpu.memref_squeeze %dma_start3A_51 : memref<1x4096xf32, #tpu.memory_space<hbm>> -> memref<4096xf32, #tpu.memory_space<hbm>>
      %dma_start3A_53 = arith.constant 4096 : i32
      %dma_start3A_54 = tpu.memref_slice %arg8[%dma_start3A_53] : memref<8192xf32, #tpu.memory_space<vmem>> -> memref<4096xf32, #tpu.memory_space<vmem>>
      tpu.enqueue_dma source(%dma_start3A_54 : memref<4096xf32, #tpu.memory_space<vmem>>) target(%dma_start3A_52 : memref<4096xf32, #tpu.memory_space<hbm>>) target_semaphore(%arg13 : memref<!tpu.dma_semaphore, #tpu.memory_space<semaphore_mem>>)
      %dma_wait3A_55 = arith.constant 0 : i32
      %dma_wait3A_56 = tpu.memref_slice %arg8[%dma_wait3A_55] : memref<8192xf32, #tpu.memory_space<vmem>> -> memref<4096xf32, #tpu.memory_space<vmem>>
      %dma_wait3A_57 = arith.constant 0 : i32
      %dma_wait3A_58 = tpu.memref_slice %arg5[%add3A, %dma_wait3A_57] : memref<26x16384xf32, #tpu.memory_space<hbm>> -> memref<1x4096xf32, #tpu.memory_space<hbm>>
      %dma_wait3A_59 = tpu.memref_squeeze %dma_wait3A_58 : memref<1x4096xf32, #tpu.memory_space<hbm>> -> memref<4096xf32, #tpu.memory_space<hbm>>
      %dma_wait3A_60 = arith.constant 0 : i32
      %dma_wait3A_61 = tpu.memref_slice %arg5[%add3A, %dma_wait3A_60] : memref<26x16384xf32, #tpu.memory_space<hbm>> -> memref<1x4096xf32, #tpu.memory_space<hbm>>
      %dma_wait3A_62 = tpu.memref_squeeze %dma_wait3A_61 : memref<1x4096xf32, #tpu.memory_space<hbm>> -> memref<4096xf32, #tpu.memory_space<hbm>>
      %dma_wait3A_63 = arith.constant 0 : i32
      %dma_wait3A_64 = tpu.memref_slice %arg8[%dma_wait3A_63] : memref<8192xf32, #tpu.memory_space<vmem>> -> memref<4096xf32, #tpu.memory_space<vmem>>
      tpu.wait_dma2 semaphore(%arg12 : memref<!tpu.dma_semaphore, #tpu.memory_space<semaphore_mem>>) src(%dma_wait3A_64 : memref<4096xf32, #tpu.memory_space<vmem>>) dst(%dma_wait3A_62 : memref<4096xf32, #tpu.memory_space<hbm>>)
      %parallel_loop3A_65 = arith.constant 0 : i32
      %parallel_loop3A_66 = arith.constant 4096 : i32
      %parallel_loop3A_67 = arith.constant 16 : i32
      scf.for %parallel_loop3A_121 = %parallel_loop3A_65 to %parallel_loop3A_66 step %parallel_loop3A_67  : i32 {
        %parallel_loop3A_122 = arith.constant 8192 : i32
        %parallel_loop3A_123 = arith.addi %parallel_loop3A_122, %parallel_loop3A_121 : i32
        %parallel_loop3A_124 = arith.index_cast %parallel_loop3A_123 : i32 to index
        %parallel_loop3A_125 = tpu.vector_load %arg7[%parallel_loop3A_124] {strides = array<i32>} : memref<16384xi32, #tpu.memory_space<vmem>>, vector<16xi32>,
        %parallel_loop3A_126 = tpu.vector_load_idx %arg6[%parallel_loop3A_125] : memref<100000xf32, #tpu.memory_space<vmem>>[vector<16xi32>], vector<16xf32>,
        %parallel_loop3A_127 = arith.addf %parallel_loop3A_126, %get3A_17 : vector<16xf32>
        %parallel_loop3A_128 = arith.constant 0 : i32
        %parallel_loop3A_129 = arith.addi %parallel_loop3A_128, %parallel_loop3A_121 : i32
        %parallel_loop3A_130 = arith.index_cast %parallel_loop3A_129 : i32 to index
        %parallel_loop3A_131 = tpu.vector_load %arg8[%parallel_loop3A_130] {strides = array<i32>} : memref<8192xf32, #tpu.memory_space<vmem>>, vector<16xf32>,
        tpu.vector_store %arg8[%parallel_loop3A_130], %parallel_loop3A_127 {strides = array<i32>} : memref<8192xf32, #tpu.memory_space<vmem>>, vector<16xf32>,
      } {sc.loop_unroll_factor = 8 : i64, sc.parallel_access}
      %dma_start3A_68 = arith.constant 0 : i32
      %dma_start3A_69 = tpu.memref_slice %arg8[%dma_start3A_68] : memref<8192xf32, #tpu.memory_space<vmem>> -> memref<4096xf32, #tpu.memory_space<vmem>>
      %dma_start3A_70 = arith.constant 8192 : i32
      %dma_start3A_71 = tpu.memref_slice %arg5[%add3A, %dma_start3A_70] : memref<26x16384xf32, #tpu.memory_space<hbm>> -> memref<1x4096xf32, #tpu.memory_space<hbm>>
      %dma_start3A_72 = tpu.memref_squeeze %dma_start3A_71 : memref<1x4096xf32, #tpu.memory_space<hbm>> -> memref<4096xf32, #tpu.memory_space<hbm>>
      %dma_start3A_73 = arith.constant 8192 : i32
      %dma_start3A_74 = tpu.memref_slice %arg5[%add3A, %dma_start3A_73] : memref<26x16384xf32, #tpu.memory_space<hbm>> -> memref<1x4096xf32, #tpu.memory_space<hbm>>
      %dma_start3A_75 = tpu.memref_squeeze %dma_start3A_74 : memref<1x4096xf32, #tpu.memory_space<hbm>> -> memref<4096xf32, #tpu.memory_space<hbm>>
      %dma_start3A_76 = arith.constant 0 : i32
      %dma_start3A_77 = tpu.memref_slice %arg8[%dma_start3A_76] : memref<8192xf32, #tpu.memory_space<vmem>> -> memref<4096xf32, #tpu.memory_space<vmem>>
      tpu.enqueue_dma source(%dma_start3A_77 : memref<4096xf32, #tpu.memory_space<vmem>>) target(%dma_start3A_75 : memref<4096xf32, #tpu.memory_space<hbm>>) target_semaphore(%arg12 : memref<!tpu.dma_semaphore, #tpu.memory_space<semaphore_mem>>)
      %dma_wait3A_78 = arith.constant 4096 : i32
      %dma_wait3A_79 = tpu.memref_slice %arg8[%dma_wait3A_78] : memref<8192xf32, #tpu.memory_space<vmem>> -> memref<4096xf32, #tpu.memory_space<vmem>>
      %dma_wait3A_80 = arith.constant 4096 : i32
      %dma_wait3A_81 = tpu.memref_slice %arg5[%add3A, %dma_wait3A_80] : memref<26x16384xf32, #tpu.memory_space<hbm>> -> memref<1x4096xf32, #tpu.memory_space<hbm>>
      %dma_wait3A_82 = tpu.memref_squeeze %dma_wait3A_81 : memref<1x4096xf32, #tpu.memory_space<hbm>> -> memref<4096xf32, #tpu.memory_space<hbm>>
      %dma_wait3A_83 = arith.constant 4096 : i32
      %dma_wait3A_84 = tpu.memref_slice %arg5[%add3A, %dma_wait3A_83] : memref<26x16384xf32, #tpu.memory_space<hbm>> -> memref<1x4096xf32, #tpu.memory_space<hbm>>
      %dma_wait3A_85 = tpu.memref_squeeze %dma_wait3A_84 : memref<1x4096xf32, #tpu.memory_space<hbm>> -> memref<4096xf32, #tpu.memory_space<hbm>>
      %dma_wait3A_86 = arith.constant 4096 : i32
      %dma_wait3A_87 = tpu.memref_slice %arg8[%dma_wait3A_86] : memref<8192xf32, #tpu.memory_space<vmem>> -> memref<4096xf32, #tpu.memory_space<vmem>>
      tpu.wait_dma2 semaphore(%arg13 : memref<!tpu.dma_semaphore, #tpu.memory_space<semaphore_mem>>) src(%dma_wait3A_87 : memref<4096xf32, #tpu.memory_space<vmem>>) dst(%dma_wait3A_85 : memref<4096xf32, #tpu.memory_space<hbm>>)
      %parallel_loop3A_88 = arith.constant 0 : i32
      %parallel_loop3A_89 = arith.constant 4096 : i32
      %parallel_loop3A_90 = arith.constant 16 : i32
      scf.for %parallel_loop3A_121 = %parallel_loop3A_88 to %parallel_loop3A_89 step %parallel_loop3A_90  : i32 {
        %parallel_loop3A_122 = arith.constant 12288 : i32
        %parallel_loop3A_123 = arith.addi %parallel_loop3A_122, %parallel_loop3A_121 : i32
        %parallel_loop3A_124 = arith.index_cast %parallel_loop3A_123 : i32 to index
        %parallel_loop3A_125 = tpu.vector_load %arg7[%parallel_loop3A_124] {strides = array<i32>} : memref<16384xi32, #tpu.memory_space<vmem>>, vector<16xi32>,
        %parallel_loop3A_126 = tpu.vector_load_idx %arg6[%parallel_loop3A_125] : memref<100000xf32, #tpu.memory_space<vmem>>[vector<16xi32>], vector<16xf32>,
        %parallel_loop3A_127 = arith.addf %parallel_loop3A_126, %get3A_17 : vector<16xf32>
        %parallel_loop3A_128 = arith.constant 4096 : i32
        %parallel_loop3A_129 = arith.addi %parallel_loop3A_128, %parallel_loop3A_121 : i32
        %parallel_loop3A_130 = arith.index_cast %parallel_loop3A_129 : i32 to index
        %parallel_loop3A_131 = tpu.vector_load %arg8[%parallel_loop3A_130] {strides = array<i32>} : memref<8192xf32, #tpu.memory_space<vmem>>, vector<16xf32>,
        tpu.vector_store %arg8[%parallel_loop3A_130], %parallel_loop3A_127 {strides = array<i32>} : memref<8192xf32, #tpu.memory_space<vmem>>, vector<16xf32>,
      } {sc.loop_unroll_factor = 8 : i64, sc.parallel_access}
      %dma_start3A_91 = arith.constant 4096 : i32
      %dma_start3A_92 = tpu.memref_slice %arg8[%dma_start3A_91] : memref<8192xf32, #tpu.memory_space<vmem>> -> memref<4096xf32, #tpu.memory_space<vmem>>
      %dma_start3A_93 = arith.constant 12288 : i32
      %dma_start3A_94 = tpu.memref_slice %arg5[%add3A, %dma_start3A_93] : memref<26x16384xf32, #tpu.memory_space<hbm>> -> memref<1x4096xf32, #tpu.memory_space<hbm>>
      %dma_start3A_95 = tpu.memref_squeeze %dma_start3A_94 : memref<1x4096xf32, #tpu.memory_space<hbm>> -> memref<4096xf32, #tpu.memory_space<hbm>>
      %dma_start3A_96 = arith.constant 12288 : i32
      %dma_start3A_97 = tpu.memref_slice %arg5[%add3A, %dma_start3A_96] : memref<26x16384xf32, #tpu.memory_space<hbm>> -> memref<1x4096xf32, #tpu.memory_space<hbm>>
      %dma_start3A_98 = tpu.memref_squeeze %dma_start3A_97 : memref<1x4096xf32, #tpu.memory_space<hbm>> -> memref<4096xf32, #tpu.memory_space<hbm>>
      %dma_start3A_99 = arith.constant 4096 : i32
      %dma_start3A_100 = tpu.memref_slice %arg8[%dma_start3A_99] : memref<8192xf32, #tpu.memory_space<vmem>> -> memref<4096xf32, #tpu.memory_space<vmem>>
      tpu.enqueue_dma source(%dma_start3A_100 : memref<4096xf32, #tpu.memory_space<vmem>>) target(%dma_start3A_98 : memref<4096xf32, #tpu.memory_space<hbm>>) target_semaphore(%arg13 : memref<!tpu.dma_semaphore, #tpu.memory_space<semaphore_mem>>)
      %dma_wait3A_101 = arith.constant 0 : i32
      %dma_wait3A_102 = tpu.memref_slice %arg8[%dma_wait3A_101] : memref<8192xf32, #tpu.memory_space<vmem>> -> memref<4096xf32, #tpu.memory_space<vmem>>
      %dma_wait3A_103 = arith.constant 8192 : i32
      %dma_wait3A_104 = tpu.memref_slice %arg5[%add3A, %dma_wait3A_103] : memref<26x16384xf32, #tpu.memory_space<hbm>> -> memref<1x4096xf32, #tpu.memory_space<hbm>>
      %dma_wait3A_105 = tpu.memref_squeeze %dma_wait3A_104 : memref<1x4096xf32, #tpu.memory_space<hbm>> -> memref<4096xf32, #tpu.memory_space<hbm>>
      %dma_wait3A_106 = arith.constant 8192 : i32
      %dma_wait3A_107 = tpu.memref_slice %arg5[%add3A, %dma_wait3A_106] : memref<26x16384xf32, #tpu.memory_space<hbm>> -> memref<1x4096xf32, #tpu.memory_space<hbm>>
      %dma_wait3A_108 = tpu.memref_squeeze %dma_wait3A_107 : memref<1x4096xf32, #tpu.memory_space<hbm>> -> memref<4096xf32, #tpu.memory_space<hbm>>
      %dma_wait3A_109 = arith.constant 0 : i32
      %dma_wait3A_110 = tpu.memref_slice %arg8[%dma_wait3A_109] : memref<8192xf32, #tpu.memory_space<vmem>> -> memref<4096xf32, #tpu.memory_space<vmem>>
      tpu.wait_dma2 semaphore(%arg12 : memref<!tpu.dma_semaphore, #tpu.memory_space<semaphore_mem>>) src(%dma_wait3A_110 : memref<4096xf32, #tpu.memory_space<vmem>>) dst(%dma_wait3A_108 : memref<4096xf32, #tpu.memory_space<hbm>>)
      %dma_wait3A_111 = arith.constant 4096 : i32
      %dma_wait3A_112 = tpu.memref_slice %arg8[%dma_wait3A_111] : memref<8192xf32, #tpu.memory_space<vmem>> -> memref<4096xf32, #tpu.memory_space<vmem>>
      %dma_wait3A_113 = arith.constant 12288 : i32
      %dma_wait3A_114 = tpu.memref_slice %arg5[%add3A, %dma_wait3A_113] : memref<26x16384xf32, #tpu.memory_space<hbm>> -> memref<1x4096xf32, #tpu.memory_space<hbm>>
      %dma_wait3A_115 = tpu.memref_squeeze %dma_wait3A_114 : memref<1x4096xf32, #tpu.memory_space<hbm>> -> memref<4096xf32, #tpu.memory_space<hbm>>
      %dma_wait3A_116 = arith.constant 12288 : i32
      %dma_wait3A_117 = tpu.memref_slice %arg5[%add3A, %dma_wait3A_116] : memref<26x16384xf32, #tpu.memory_space<hbm>> -> memref<1x4096xf32, #tpu.memory_space<hbm>>
      %dma_wait3A_118 = tpu.memref_squeeze %dma_wait3A_117 : memref<1x4096xf32, #tpu.memory_space<hbm>> -> memref<4096xf32, #tpu.memory_space<hbm>>
      %dma_wait3A_119 = arith.constant 4096 : i32
      %dma_wait3A_120 = tpu.memref_slice %arg8[%dma_wait3A_119] : memref<8192xf32, #tpu.memory_space<vmem>> -> memref<4096xf32, #tpu.memory_space<vmem>>
      tpu.wait_dma2 semaphore(%arg13 : memref<!tpu.dma_semaphore, #tpu.memory_space<semaphore_mem>>) src(%dma_wait3A_120 : memref<4096xf32, #tpu.memory_space<vmem>>) dst(%dma_wait3A_118 : memref<4096xf32, #tpu.memory_space<hbm>>)
    } else {
    }
    return
  }
}

</mosaic_0001>

<sc_bundles>
// kernel: kernel.3.cloned.1.call-start
scs
__scs_entry_jumppad:
0x0: {  	(pc) =	sbr.rel $0x88, $3  }
0x1: {  	(tag) =	ssettag $0x0;
	lr =	simm.s32 $0x1  }
0x2: {  	[smem:$0x3F9E] =	sst lr;
	_ =	strace $0xD0000000  }
0x3: {  	_ = 	snop  }
0x4: {  	_ = 	snop  }
0x5: {  	_ = 	snop  }
0x6: {  	_ = 	snop  }
0x7: {  	_ = 	snop  }
__scs_overlays_trampoline_lowered:
0x8: {  	[smem:$0x3FAD] =	sst s0  }
0x9: {  	[smem:$0x3FAE] =	sst s1  }
0xa: {  	[smem:$0x3FAF] =	sst s2  }
0xb: {  	[smem:$0x3FB0] =	sst s3  }
0xc: {  	[smem:$0x3FB1] =	sst s4  }
0xd: {  	[smem:$0x3FB2] =	sst s5  }
0xe: {  	[smem:$0x3FB3] =	sst s6  }
0xf: {  	[smem:$0x3FB4] =	sst s7  }
0x10: {  	[smem:$0x3FB5] =	sst s8  }
0x11: {  	[smem:$0x3FB6] =	sst s9;
	s0 =	simm.s32 @!p0 $0x0  }
0x12: {  	s1 =	sld [smem:$0x3F9C];
	s0 =	simm.s32 @p0 $0x1  }
0x13: {  	[smem:$0x3FB7] =	sst s0;
	s0 =	simm.s32 @!p1 $0x0  }
0x14: {  	s2 =	sld [smem:$0x3F9B];
	s0 =	simm.s32 @p1 $0x1  }
0x15: {  	[smem:$0x3FB8] =	sst s0;
	s0 =	simm.s32 @!p2 $0x0  }
0x16: {  	s3 =	sld [smem:$0x3FDB];
	s0 =	simm.s32 @p2 $0x1  }
0x17: {  	s4 =	simm.s32 $0x1BF5;
	[smem:$0x3FBA] =	sst s0  }
0x18: {  	s0 =	sld [smem:$0x3F9D];
	_ =	swait.ge [sflag:s4], $0x0  }
0x19: {  	s7 =	sld [smem:$0x3F9E]  }
0x1a: {  	s8 =	sadd.s32 $0xFFFFE003, lr  }
0x1b: {  	s9 =	sadd.s32 $0xFFFFFEF7, lr;
	s5 =	simm.s32 $0xFFFFFFFF;
	p2 =	slt.u32 s8, $0xFFFFF086  }
0x1c: {  	p1 =	slt.u32 s9, $0xF7A;
	s5 =	simm.s32 @!p2 $0x0  }
0x1d: {  	s5 =	simm.s32 @p1 $0x1;
	p0 =	seq.s32 s7, s2  }
0x1e: {  	s7 =	smul.u32 @!p0 $0xF7A, s2;
	p2 =	seq.s32 @!p0 s5, $0x0  }
0x1f: {  	s9 =	smul.u32 $0xF7A, s1;
	s8 =	simm.s32 @!p0 $0x1BF5;
	p2 =	por !p2, p0  }
0x20: {  	[sflag:s8] =	ssyncset.s32 @!p0 $0xFFFFF086;
	s6 =	sadd.s32 @!p0 s3, s7;
	s7 =	simm.s32 @!p0 $0x108  }
0x21: {  	s3 =	sadd.s32 s3, s9;
	s6 =	sadd.s32 @!p0 $0x88, s6;
	s7 =	simm.s32 @p2 $0x1082  }
0x22: {  	[simem:s7], [sflag:s8] =	dma.local @!p0 [hbm:s6], $0xF7A  }
0x23: {  	s9 =	sor.u32 $0xD0000000, s2;
	s6 =	simm.s32 $0x108;
	_ =	swait.ge @!p0 [sflag:s8], $0x0  }
0x24: {  	s3 =	sadd.s32 $0x88, s3;
	s6 =	simm.s32 @!p1 $0x1082;
	[sflag:s4] =	ssyncset.s32 $0xFFFFF086  }
0x25: {  	[simem:s6], [sflag:s4] =	dma.local [hbm:s3], $0xF7A  }
0x26: {  	[smem:$0x3F9E] =	sst s1;
	(tag) =	ssettag s2;
	_ =	strace s9  }
0x27: {  	s1 =	sld [smem:$0x3FAE]  }
0x28: {  	s2 =	sld [smem:$0x3FAF]  }
0x29: {  	s4 =	sld [smem:$0x3FB1]  }
0x2a: {  	p0 =	seq.s32 s5, $0x0;
	s5 =	sld [smem:$0x3FB2]  }
0x2b: {  	s6 =	sld [smem:$0x3FB3]  }
0x2c: {  	s7 =	sld [smem:$0x3FB4]  }
0x2d: {  	s3 =	simm.s32 $0x108;
	s8 =	sld [smem:$0x3FB5]  }
0x2e: {  	s3 =	simm.s32 @!p0 $0x1082;
	s9 =	sld [smem:$0x3FB6]  }
0x2f: {  	lr =	sadd.s32 s0, s3;
	s0 =	sld [smem:$0x3FAD]  }
0x30: {  	s3 =	sld [smem:$0x3FB0]  }
0x31: {  	[smem:$0x3FB9] =	sst s10  }
0x32: {  	s10 =	sld [smem:$0x3FB7];
	_ =	sdelay $0x3  }
0x33: {  	p0 =	seq.s32 s10, $0x1;
	s10 =	sld [smem:$0x3FB9];
	_ =	sdelay $0x3  }
0x34: {  	[smem:$0x3FB9] =	sst s10  }
0x35: {  	s10 =	sld [smem:$0x3FB8];
	_ =	sdelay $0x3  }
0x36: {  	p1 =	seq.s32 s10, $0x1;
	s10 =	sld [smem:$0x3FB9];
	_ =	sdelay $0x3  }
0x37: {  	[smem:$0x3FB9] =	sst s10  }
0x38: {  	s10 =	sld [smem:$0x3FBA]  }
0x39: {  	_ = 	snop;
	(pc) =	sbr.ind lr, $3  }
0x3a: {  	_ = 	snop  }
0x3b: {  	_ = 	snop  }
0x3c: {  	p2 =	seq.s32 s10, $0x1;
	s10 =	sld [smem:$0x3FB9]  }
0x3d: {  	_ =	shalt  }
0x3e: {  	_ =	shalt  }
0x3f: {  	_ =	shalt  }
0x40: {  	_ =	shalt  }
0x41: {  	_ =	shalt  }
0x42: {  	_ =	shalt  }
0x43: {  	_ =	shalt  }
0x44: {  	_ =	shalt  }
0x45: {  	_ =	shalt  }
0x46: {  	_ =	shalt  }
0x47: {  	_ =	shalt  }
0x48: {  	_ =	shalt  }
0x49: {  	_ =	shalt  }
0x4a: {  	_ =	shalt  }
0x4b: {  	_ =	shalt  }
0x4c: {  	_ =	shalt  }
0x4d: {  	_ =	shalt  }
0x4e: {  	_ =	shalt  }
0x4f: {  	_ =	shalt  }
0x50: {  	_ =	shalt  }
0x51: {  	_ =	shalt  }
0x52: {  	_ =	shalt  }
0x53: {  	_ =	shalt  }
0x54: {  	_ =	shalt  }
0x55: {  	_ =	shalt  }
0x56: {  	_ =	shalt  }
0x57: {  	_ =	shalt  }
0x58: {  	_ =	shalt  }
0x59: {  	_ =	shalt  }
0x5a: {  	_ =	shalt  }
0x5b: {  	_ =	shalt  }
0x5c: {  	_ =	shalt  }
0x5d: {  	_ =	shalt  }
0x5e: {  	_ =	shalt  }
0x5f: {  	_ =	shalt  }
0x60: {  	_ =	shalt  }
0x61: {  	_ =	shalt  }
0x62: {  	_ =	shalt  }
0x63: {  	_ =	shalt  }
0x64: {  	_ =	shalt  }
0x65: {  	_ =	shalt  }
0x66: {  	_ =	shalt  }
0x67: {  	_ =	shalt  }
0x68: {  	_ =	shalt  }
0x69: {  	_ =	shalt  }
0x6a: {  	_ =	shalt  }
0x6b: {  	_ =	shalt  }
0x6c: {  	_ =	shalt  }
0x6d: {  	_ =	shalt  }
0x6e: {  	_ =	shalt  }
0x6f: {  	_ =	shalt  }
0x70: {  	_ =	shalt  }
0x71: {  	_ =	shalt  }
0x72: {  	_ =	shalt  }
0x73: {  	_ =	shalt  }
0x74: {  	_ =	shalt  }
0x75: {  	_ =	shalt  }
0x76: {  	_ =	shalt  }
0x77: {  	_ =	shalt  }
0x78: {  	_ =	shalt  }
0x79: {  	_ =	shalt  }
0x7a: {  	_ =	shalt  }
0x7b: {  	_ =	shalt  }
0x7c: {  	_ =	shalt  }
0x7d: {  	_ =	shalt  }
0x7e: {  	_ =	shalt  }
0x7f: {  	_ =	shalt  }
0x80: {  	_ =	shalt  }
0x81: {  	_ =	shalt  }
0x82: {  	_ =	shalt  }
0x83: {  	_ =	shalt  }
0x84: {  	_ =	shalt  }
0x85: {  	_ =	shalt  }
0x86: {  	_ =	shalt  }
0x87: {  	_ =	shalt  }
.Lfunc_end0:
.L_simem_size_0:
called_computation_lowered:
.L_overlay_start_0:
0x88: {  	s2 =	sld [smem:$0x3FD9]  }
0x89: {  	s3 =	sld [smem:$0x3FFE];
	_ =	sdelay $0x1  }
0x8a: {  	s1 =	srdreg.scid  }
0x8b: {  	s0 =	sand.u32 $0x1, s1  }
0x8c: {  	s18 =	sshll.u32 s0, $0xA;
	s2 =	sadd.s32 s3, s2  }
0x8d: {  	s2 =	sadd.s32 s2, s18  }
0x8e: {  	[smem:$0x3FC5] =	sst s2  }
0x8f: {  	_ = 	snop  }
0x90: {  	s2 =	sld [smem:$0x3FC9]  }
0x91: {  	s19 =	sld [smem:$0x3FC8]  }
0x92: {  	s4 =	sld [smem:$0x3FC7]  }
0x93: {  	s5 =	sld [smem:$0x3FD0];
	(tm) =	ssettm $0x1  }
0x94: {  	s6 =	sld [smem:$0x3FFB];
	_ =	sdelay $0x3  }
0x95: {  	_ =	strace s6  }
0x96: {  	s6 =	sld [smem:$0x3FFC];
	_ =	sdelay $0x3  }
0x97: {  	_ =	strace s6  }
0x98: {  	s6 =	sld [smem:$0x3FFD];
	_ =	sdelay $0x3  }
0x99: {  	_ =	strace s6  }
0x9a: {  	_ =	strace $0x8FFFFFFF  }
0x9b: {  	s20 =	sld [smem:$0x3FDB];
	_ =	sdelay $0x1  }
0x9c: {  	s7 =	simm.s32 $_scs_section_size  }
0x9d: {  	s8 =	simm.s32 $_size__tile_overlayer_lowered;
	s9 =	simm.s32 $_tile_overlayer_lowered  }
0x9e: {  	s23 =	simm.s32 $0x1BFF;
	s22 =	sshll.u32 s9, $0x1;
	s6 =	sadd.s32 s7, s20  }
0x9f: {  	s10 =	simm.s32 $0x0;
	s21 =	sshll.u32 s8, $0x1;
	s8 =	sadd.s32 s22, s6  }
0xa0: {  	[timem:s10], [sflag:s23] =	dma.local [hbm:s8], s21  }
0xa1: {  	_ =	swait.ge [sflag:s23], s21  }
0xa2: {  	s7 =	ssub.s32 $0x0, s21;
	[sflag:s23] =	ssyncset.done $0x0  }
0xa3: {  	[sflag:s23] =	ssyncadd.s32 s7;
	_ =	sdelay $0x1  }
0xa4: {  	s24 =	simm.s32 $0x1B8B  }
0xa5: {  	_ =	swait.ge [sflag:s24], $0x1  }
0xa6: {  	[sflag:s24] =	ssyncset.done $0x0  }
0xa7: {  	s25 =	simm.s32 $0x1B8E;
	[sflag:s24] =	ssyncadd.s32 $0xFFFFFFFF  }
0xa8: {  	s26 =	simm.s32 $execute0_lowered;
	[smem:$0x3FD2] =	sst s25  }
0xa9: {  	s7 =	sshll.u32 s26, $0x1;
	_ =	strace $0x80000046;
	[dreg:$0x1] =	wrdreg $0xFFFFFFFF  }
0xaa: {  	s28 =	simm.s32 $_size_execute0_lowered;
	s6 =	sadd.s32 s6, s7;
	[dreg:$0x0] =	wrdreg $0x0  }
0xab: {  	s7 =	sshll.u32 s28, $0x1;
	[dreg:$0x2] =	wrdreg s6  }
0xac: {  	[dreg:$0x3] =	wrdreg s7  }
0xad: {  	[dreg:$0x4] =	wrdreg $0xC0  }
0xae: {  	_ =	task [dreg:s10], $0x5FFFF  }
0xaf: {  	[dreg:$0x1] =	wrdreg $0xFFFFFFFF  }
0xb0: {  	[dreg:$0x0] =	wrdreg $0x60  }
0xb1: {  	[dreg:$0x2] =	wrdreg s2  }
0xb2: {  	[dreg:$0x3] =	wrdreg s19  }
0xb3: {  	[dreg:$0x4] =	wrdreg s4  }
0xb4: {  	[dreg:$0x5] =	wrdreg s5  }
0xb5: {  	[dreg:$0x6] =	wrdreg $0x9  }
0xb6: {  	_ =	task.clear_ibuf [dreg:s10], $0x7FFFF;
	_ =	strace $0x90000046  }
0xb7: {  	s29 =	simm.s32 $0x9;
	_ =	strace $0x80000048  }
0xb8: {  	_ =	swait.ge [sflag:s29], $0x1  }
0xb9: {  	[sflag:s29] =	ssyncadd.s32 $0xFFFFFFFF  }
0xba: {  	_ =	strace $0x90000048  }
0xbb: {  	_ =	sfence  }
0xbc: {  	s30 =	sld [smem:$0x0];
	_ =	sdelay $0x2  }
0xbd: {  	s31 =	sshll.u32 s1, $0xD;
	s1 =	sshrl.u32 s1, $0x2  }
0xbe: {  	s3 =	sand.u32 $0x4000, s31;
	s1 =	sadd.s32 s1, s30  }
0xbf: {  	s0 =	sor.u32 s3, s0;
	s1 =	sshll.u32 s1, $0x11  }
0xc0: {  	s0 =	sor.u32 s1, s0  }
0xc1: {  	s0 =	sadd.s32 $0x8F2B, s0  }
0xc2: {  	[sflag:s0] =	ssyncadd.remote.s32 $0x1  }
0xc3: {  	_ =	sfence.sel $0xFFFF  }
0xc4: {  	[dreg:$0x0] =	wrdreg $0xFFFFFFFF;
	(pc) =	sbr.abs _section_cstart, $3  }
0xc5: {  	[dreg:$0x1] =	wrdreg $0xFFFFFFFF  }
0xc6: {  	_ =	task.clear_ibuf [dreg:s10], $0x2FFFF;
	_ =	strace $0x9FFFFFFF  }
0xc7: {  	(tm) =	ssettm $0x7FFFFFFF  }
tec
execute0_lowered:
.L_overlay_start_1:
0x0: {  	(tag) =	ssettag $0x1  }
0x1: {  	s1 =	stileid.u32  }
0x2: {  	s8 =	rddreg [dreg:$0x0];
	p0 =	sgt.u32 s1, $0xC  }
.Ltmp0:
0x3: {  	s9 =	rddreg [dreg:$0x1];
	(pc) =	sbr.rel @p0 .LBB2_11-.Ltmp0, $4  }
0x4: {  	s2 =	rddreg [dreg:$0x2]  }
0x5: {  	s4 =	rddreg [dreg:$0x3];
	s3 =	simm.s32 $0x0  }
0x6: {  	[smem:$0x7FF] =	sst s3  }
0x7: {  	s0 =	rddreg [dreg:$0x4];
	_ =	strace $0x80000047  }
0x8: {  	s5 =	srdreg.scid  }
0x9: {  	s29 =	sshll.u32 s1, $0x1;
	s6 =	sshrl.u32 s1, $0x2;
	s14 =	simm.s32 $0x1E700  }
0xa: {  	s15 =	simm.s32 $0x3;
	s16 =	simm.s32 $0x2;
	s17 =	simm.s32 $0x1  }
0xb: {  	s18 =	simm.s32 $0x1C700;
	s20 =	simm.s32 $0x4;
	s7 =	sand.u32 $0x1, s5  }
0xc: {  	s21 =	simm.s32 $0x0;
	s30 =	sshll.u32 s6, $0x11;
	s19 =	sor.u32 s7, s29  }
0xd: {  	s12 =	smul.u32 $0xC3800, s6;
	s13 =	ssub.s32 $0x2, s7;
	s5 =	sshll.u32 s19, $0x7  }
0xe: {  	s31 =	sshrl.u32 s13, $0x1;
	v0 =	vmov s19;
	s19 =	simm.s32 $0x1D700;
	s10 =	sand.u32 $0x380, s5  }
0xf: {  	s5 =	sor.u32 s30, s10;
	s10 =	sor.u32 s12, s10;
	s12 =	ssub.s32 s13, s31  }
0x10: {  	s13 =	simm.s32 $0x18700;
	s11 =	sshrl.u32 s5, $0x3;
	s10 =	sshrl.u32 s10, $0x3  }
0x11: {  	s4 =	sadd.s32 s4, s11;
	s8 =	sadd.s32 s8, s11;
	s9 =	sadd.s32 s9, s10  }
0x12: {  	s10 =	smax.u32 s12, $0x1;
	s11 =	simm.s32 $0x80;
	s12 =	simm.s32 $0x400  }
0x13: {  	vm0 =	vmmov $0xffff;
	s5 =	sadd.s32 $0x1000, s4;
	s6 =	sadd.s32 $0x2000, s4;
	s7 =	sadd.s32 $0x3000, s4  }
.LBB2_2:
0x14: {  	[tilespmem:s3], [sflag:$0x1] =	stream.strided.gather [hbm4b:s9+s11], $0x18700, s12, s11, $0x38;
	[tilespmem:$0x1E780] =	vst v63  }
0x15: {  	_ = 	snop  }
0x16: {  	[tilespmem:s13], [sflag:$0x2] =	stream.strided.gather [hbm4b:s8+s11], $0x4000, s12, s11, $0x38;
	[tilespmem:$0x1E780] =	vst v63  }
0x17: {  	_ = 	snop  }
0x18: {  	[tilespmem:s14], [sflag:$0x3] =	stream.indirect_vreg.gather [hbm4b:s2+s3], $0x1, v0, vm0, $0xb8;
	[tilespmem:$0x1E780] =	vst v63  }
0x19: {  	_ =	swait.ge [sflag:s15], $0x10  }
0x1a: {  	[sflag:s15] =	ssyncset.done $0x0  }
0x1b: {  	[sflag:s15] =	ssyncadd.s32 $0xFFFFFFF0  }
0x1c: {  	v1 =	vld [tilespmem:$0x1E700];
	_ =	swait.ge [sflag:s16], $0x4000  }
0x1d: {  	[sflag:s16] =	ssyncset.done $0x0  }
0x1e: {  	[sflag:s16] =	ssyncadd.s32 $0xFFFFC000  }
0x1f: {  	_ =	swait.ge [sflag:s17], $0x18700  }
0x20: {  	[sflag:s17] =	ssyncset.done $0x0  }
0x21: {  	s22 =	simm.s32 $0x18740;
	[sflag:s17] =	ssyncadd.s32 $0xFFFE7900  }
0x22: {  	v2 =	vld [tilespmem:s22+$0x30]  }
0x23: {  	v3 =	vld [tilespmem:s22+$0xFFFFFFD0]  }
0x24: {  	v4 =	vld [tilespmem:s22+$0xFFFFFFE0]  }
0x25: {  	v5 =	vld [tilespmem:s22+$0xFFFFFFF0]  }
0x26: {  	v8 =	vld [tilespmem:s22+$0x0]  }
0x27: {  	v9 =	vld [tilespmem:s22+$0x10]  }
0x28: {  	v10 =	vld [tilespmem:s22+$0x20]  }
0x29: {  	v11 =	vld [tilespmem:s22+$0xFFFFFFC0]  }
0x2a: {  	v12 =	vld.idx.msk [tilespmem:v2+s3+$0x0], $0xffff  }
0x2b: {  	v13 =	vld.idx.msk [tilespmem:v3+s3+$0x0], $0xffff  }
0x2c: {  	v7 =	vld.idx.msk [tilespmem:v4+s3+$0x0], $0xffff  }
0x2d: {  	v6 =	vld.idx.msk [tilespmem:v5+s3+$0x0], $0xffff  }
0x2e: {  	v5 =	vld.idx.msk [tilespmem:v8+s3+$0x0], $0xffff  }
0x2f: {  	v3 =	vld.idx.msk [tilespmem:v9+s3+$0x0], $0xffff  }
0x30: {  	v2 =	vld.idx.msk [tilespmem:v10+s3+$0x0], $0xffff;
	v8 =	vadd.f32 v12, v1  }
0x31: {  	s23 =	simm.s32 $0x0;
	s24 =	simm.s32 $0x187C0;
	s22 =	simm.s32 $0x1C740;
	v4 =	vld.idx.msk [tilespmem:v11+s3+$0x0], $0xffff;
	v9 =	vadd.f32 v13, v1  }
.LBB2_3:
0x32: {  	v10 =	vld [tilespmem:s24+$0x30];
	s23 =	sadd.s32 $0x80, s23;
	v7 =	vadd.f32 v7, v1;
	[tilespmem:s22+$0x30] =	vst v8  }
0x33: {  	v6 =	vadd.f32 v6, v1;
	v8 =	vld [tilespmem:s24+$0xFFFFFFD0];
	p0 =	slt.u32 s23, $0xF80;
	[tilespmem:s22+$0xFFFFFFD0] =	vst v9  }
0x34: {  	v5 =	vadd.f32 v5, v1;
	v9 =	vld [tilespmem:s24+$0xFFFFFFE0];
	[tilespmem:s22+$0xFFFFFFE0] =	vst v7  }
0x35: {  	v3 =	vadd.f32 v3, v1;
	v11 =	vld [tilespmem:s24+$0xFFFFFFF0];
	[tilespmem:s22+$0xFFFFFFF0] =	vst v6  }
0x36: {  	v2 =	vadd.f32 v2, v1;
	v12 =	vld [tilespmem:s24+$0x0];
	[tilespmem:s22+$0x0] =	vst v5  }
0x37: {  	v4 =	vadd.f32 v4, v1;
	v13 =	vld [tilespmem:s24+$0x10];
	[tilespmem:s22+$0x10] =	vst v3  }
0x38: {  	v14 =	vld [tilespmem:s24+$0x20];
	[tilespmem:s22+$0x20] =	vst v2  }
0x39: {  	v15 =	vld [tilespmem:s24+$0xFFFFFFC0];
	[tilespmem:s22+$0xFFFFFFC0] =	vst v4  }
0x3a: {  	v4 =	vld.idx.msk [tilespmem:v10+s3+$0x0], $0xffff  }
0x3b: {  	v10 =	vld.idx.msk [tilespmem:v8+s3+$0x0], $0xffff  }
0x3c: {  	v7 =	vld.idx.msk [tilespmem:v9+s3+$0x0], $0xffff  }
.Ltmp1:
0x3d: {  	v6 =	vld.idx.msk [tilespmem:v11+s3+$0x0], $0xffff;
	(pc) =	sbr.rel @p0 .LBB2_3-.Ltmp1, $4  }
0x3e: {  	v5 =	vld.idx.msk [tilespmem:v12+s3+$0x0], $0xffff  }
0x3f: {  	v3 =	vld.idx.msk [tilespmem:v13+s3+$0x0], $0xffff  }
0x40: {  	v8 =	vadd.f32 v4, v1;
	v2 =	vld.idx.msk [tilespmem:v14+s3+$0x0], $0xffff  }
0x41: {  	s24 =	sadd.s32 $0x80, s24;
	s22 =	sadd.s32 $0x80, s22;
	v9 =	vadd.f32 v10, v1;
	v4 =	vld.idx.msk [tilespmem:v15+s3+$0x0], $0xffff  }
0x42: {  	v7 =	vadd.f32 v7, v1;
	[tilespmem:s22+$0x30] =	vst v8  }
0x43: {  	v6 =	vadd.f32 v6, v1;
	[tilespmem:s22+$0xFFFFFFD0] =	vst v9  }
0x44: {  	v5 =	vadd.f32 v5, v1;
	[tilespmem:s22+$0xFFFFFFE0] =	vst v7  }
0x45: {  	[tilespmem:s22+$0xFFFFFFF0] =	vst v6;
	v3 =	vadd.f32 v3, v1  }
0x46: {  	[tilespmem:s22+$0x0] =	vst v5;
	v2 =	vadd.f32 v2, v1  }
0x47: {  	v4 =	vadd.f32 v4, v1;
	[tilespmem:s22+$0x10] =	vst v3  }
0x48: {  	[tilespmem:s22+$0x20] =	vst v2  }
0x49: {  	s31 =	simm.s32 $0x19770;
	[tilespmem:s22+$0xFFFFFFC0] =	vst v4  }
0x4a: {  	[hbm4b:s4+s11] =	stream.strided.scatter [tilespmem:s18], [sflag:$0x3], $0x1000, s12, s11, $0x38;
	[tilespmem:$0x1E780] =	vst v63  }
0x4b: {  	v2 =	vld [tilespmem:s31+$0x0]  }
0x4c: {  	v3 =	vld [tilespmem:s31+$0xFFFFFFA0]  }
0x4d: {  	v4 =	vld [tilespmem:s31+$0xFFFFFFB0]  }
0x4e: {  	v5 =	vld [tilespmem:s31+$0xFFFFFFC0]  }
0x4f: {  	v8 =	vld [tilespmem:s31+$0xFFFFFFD0]  }
0x50: {  	v9 =	vld [tilespmem:s31+$0xFFFFFFE0]  }
0x51: {  	v10 =	vld [tilespmem:s31+$0xFFFFFFF0]  }
0x52: {  	v11 =	vld [tilespmem:s31+$0xFFFFFF90]  }
0x53: {  	v12 =	vld.idx.msk [tilespmem:v2+s3+$0x0], $0xffff  }
0x54: {  	v13 =	vld.idx.msk [tilespmem:v3+s3+$0x0], $0xffff  }
0x55: {  	v7 =	vld.idx.msk [tilespmem:v4+s3+$0x0], $0xffff  }
0x56: {  	v6 =	vld.idx.msk [tilespmem:v5+s3+$0x0], $0xffff  }
0x57: {  	v5 =	vld.idx.msk [tilespmem:v8+s3+$0x0], $0xffff  }
0x58: {  	v3 =	vld.idx.msk [tilespmem:v9+s3+$0x0], $0xffff  }
0x59: {  	v2 =	vld.idx.msk [tilespmem:v10+s3+$0x0], $0xffff;
	v8 =	vadd.f32 v12, v1  }
0x5a: {  	s23 =	simm.s32 $0x0;
	s24 =	simm.s32 $0x197F0;
	s22 =	simm.s32 $0x1D770;
	v4 =	vld.idx.msk [tilespmem:v11+s3+$0x0], $0xffff;
	v9 =	vadd.f32 v13, v1  }
.LBB2_5:
0x5b: {  	v10 =	vld [tilespmem:s24+$0x0];
	s23 =	sadd.s32 $0x80, s23;
	v7 =	vadd.f32 v7, v1;
	[tilespmem:s22+$0x0] =	vst v8  }
0x5c: {  	v6 =	vadd.f32 v6, v1;
	v8 =	vld [tilespmem:s24+$0xFFFFFFA0];
	p0 =	slt.u32 s23, $0xF80;
	[tilespmem:s22+$0xFFFFFFA0] =	vst v9  }
0x5d: {  	v5 =	vadd.f32 v5, v1;
	v9 =	vld [tilespmem:s24+$0xFFFFFFB0];
	[tilespmem:s22+$0xFFFFFFB0] =	vst v7  }
0x5e: {  	v3 =	vadd.f32 v3, v1;
	v11 =	vld [tilespmem:s24+$0xFFFFFFC0];
	[tilespmem:s22+$0xFFFFFFC0] =	vst v6  }
0x5f: {  	v2 =	vadd.f32 v2, v1;
	v12 =	vld [tilespmem:s24+$0xFFFFFFD0];
	[tilespmem:s22+$0xFFFFFFD0] =	vst v5  }
0x60: {  	v4 =	vadd.f32 v4, v1;
	v13 =	vld [tilespmem:s24+$0xFFFFFFE0];
	[tilespmem:s22+$0xFFFFFFE0] =	vst v3  }
0x61: {  	v14 =	vld [tilespmem:s24+$0xFFFFFFF0];
	[tilespmem:s22+$0xFFFFFFF0] =	vst v2  }
0x62: {  	v15 =	vld [tilespmem:s24+$0xFFFFFF90];
	[tilespmem:s22+$0xFFFFFF90] =	vst v4  }
0x63: {  	v4 =	vld.idx.msk [tilespmem:v10+s3+$0x0], $0xffff  }
0x64: {  	v10 =	vld.idx.msk [tilespmem:v8+s3+$0x0], $0xffff  }
0x65: {  	v7 =	vld.idx.msk [tilespmem:v9+s3+$0x0], $0xffff  }
.Ltmp2:
0x66: {  	v6 =	vld.idx.msk [tilespmem:v11+s3+$0x0], $0xffff;
	(pc) =	sbr.rel @p0 .LBB2_5-.Ltmp2, $4  }
0x67: {  	v5 =	vld.idx.msk [tilespmem:v12+s3+$0x0], $0xffff  }
0x68: {  	v3 =	vld.idx.msk [tilespmem:v13+s3+$0x0], $0xffff  }
0x69: {  	v8 =	vadd.f32 v4, v1;
	v2 =	vld.idx.msk [tilespmem:v14+s3+$0x0], $0xffff  }
0x6a: {  	s24 =	sadd.s32 $0x80, s24;
	s22 =	sadd.s32 $0x80, s22;
	v9 =	vadd.f32 v10, v1;
	v4 =	vld.idx.msk [tilespmem:v15+s3+$0x0], $0xffff  }
0x6b: {  	v7 =	vadd.f32 v7, v1;
	[tilespmem:s22+$0x0] =	vst v8  }
0x6c: {  	v6 =	vadd.f32 v6, v1;
	[tilespmem:s22+$0xFFFFFFA0] =	vst v9  }
0x6d: {  	v5 =	vadd.f32 v5, v1;
	[tilespmem:s22+$0xFFFFFFB0] =	vst v7  }
0x6e: {  	[tilespmem:s22+$0xFFFFFFC0] =	vst v6;
	v3 =	vadd.f32 v3, v1  }
0x6f: {  	[tilespmem:s22+$0xFFFFFFD0] =	vst v5;
	v2 =	vadd.f32 v2, v1  }
0x70: {  	v4 =	vadd.f32 v4, v1;
	[tilespmem:s22+$0xFFFFFFE0] =	vst v3  }
0x71: {  	[tilespmem:s22+$0xFFFFFFF0] =	vst v2  }
0x72: {  	[tilespmem:s22+$0xFFFFFF90] =	vst v4  }
0x73: {  	[hbm4b:s5+s11] =	stream.strided.scatter [tilespmem:s19], [sflag:$0x4], $0x1000, s12, s11, $0x38;
	[tilespmem:$0x1E780] =	vst v63  }
0x74: {  	_ =	swait.ge [sflag:s15], $0x1000  }
0x75: {  	[sflag:s15] =	ssyncset.done $0x0  }
0x76: {  	s31 =	simm.s32 $0x1A770;
	[sflag:s15] =	ssyncadd.s32 $0xFFFFF000  }
0x77: {  	v2 =	vld [tilespmem:s31+$0x0]  }
0x78: {  	v3 =	vld [tilespmem:s31+$0xFFFFFFA0]  }
0x79: {  	v4 =	vld [tilespmem:s31+$0xFFFFFFB0]  }
0x7a: {  	v5 =	vld [tilespmem:s31+$0xFFFFFFC0]  }
0x7b: {  	v8 =	vld [tilespmem:s31+$0xFFFFFFD0]  }
0x7c: {  	v9 =	vld [tilespmem:s31+$0xFFFFFFE0]  }
0x7d: {  	v10 =	vld [tilespmem:s31+$0xFFFFFFF0]  }
0x7e: {  	v11 =	vld [tilespmem:s31+$0xFFFFFF90]  }
0x7f: {  	v12 =	vld.idx.msk [tilespmem:v2+s3+$0x0], $0xffff  }
0x80: {  	v13 =	vld.idx.msk [tilespmem:v3+s3+$0x0], $0xffff  }
0x81: {  	v7 =	vld.idx.msk [tilespmem:v4+s3+$0x0], $0xffff  }
0x82: {  	v6 =	vld.idx.msk [tilespmem:v5+s3+$0x0], $0xffff  }
0x83: {  	v5 =	vld.idx.msk [tilespmem:v8+s3+$0x0], $0xffff  }
0x84: {  	v3 =	vld.idx.msk [tilespmem:v9+s3+$0x0], $0xffff  }
0x85: {  	v2 =	vld.idx.msk [tilespmem:v10+s3+$0x0], $0xffff;
	v8 =	vadd.f32 v12, v1  }
0x86: {  	s23 =	simm.s32 $0x0;
	s24 =	simm.s32 $0x1A7F0;
	s22 =	simm.s32 $0x1C740;
	v4 =	vld.idx.msk [tilespmem:v11+s3+$0x0], $0xffff;
	v9 =	vadd.f32 v13, v1  }
.LBB2_7:
0x87: {  	v10 =	vld [tilespmem:s24+$0x0];
	s23 =	sadd.s32 $0x80, s23;
	v7 =	vadd.f32 v7, v1;
	[tilespmem:s22+$0x30] =	vst v8  }
0x88: {  	v6 =	vadd.f32 v6, v1;
	v8 =	vld [tilespmem:s24+$0xFFFFFFA0];
	p0 =	slt.u32 s23, $0xF80;
	[tilespmem:s22+$0xFFFFFFD0] =	vst v9  }
0x89: {  	v5 =	vadd.f32 v5, v1;
	v9 =	vld [tilespmem:s24+$0xFFFFFFB0];
	[tilespmem:s22+$0xFFFFFFE0] =	vst v7  }
0x8a: {  	v3 =	vadd.f32 v3, v1;
	v11 =	vld [tilespmem:s24+$0xFFFFFFC0];
	[tilespmem:s22+$0xFFFFFFF0] =	vst v6  }
0x8b: {  	v2 =	vadd.f32 v2, v1;
	v12 =	vld [tilespmem:s24+$0xFFFFFFD0];
	[tilespmem:s22+$0x0] =	vst v5  }
0x8c: {  	v4 =	vadd.f32 v4, v1;
	v13 =	vld [tilespmem:s24+$0xFFFFFFE0];
	[tilespmem:s22+$0x10] =	vst v3  }
0x8d: {  	v14 =	vld [tilespmem:s24+$0xFFFFFFF0];
	[tilespmem:s22+$0x20] =	vst v2  }
0x8e: {  	v15 =	vld [tilespmem:s24+$0xFFFFFF90];
	[tilespmem:s22+$0xFFFFFFC0] =	vst v4  }
0x8f: {  	v4 =	vld.idx.msk [tilespmem:v10+s3+$0x0], $0xffff  }
0x90: {  	v10 =	vld.idx.msk [tilespmem:v8+s3+$0x0], $0xffff  }
0x91: {  	v7 =	vld.idx.msk [tilespmem:v9+s3+$0x0], $0xffff  }
.Ltmp3:
0x92: {  	v6 =	vld.idx.msk [tilespmem:v11+s3+$0x0], $0xffff;
	(pc) =	sbr.rel @p0 .LBB2_7-.Ltmp3, $4  }
0x93: {  	v5 =	vld.idx.msk [tilespmem:v12+s3+$0x0], $0xffff  }
0x94: {  	v3 =	vld.idx.msk [tilespmem:v13+s3+$0x0], $0xffff  }
0x95: {  	v8 =	vadd.f32 v4, v1;
	v2 =	vld.idx.msk [tilespmem:v14+s3+$0x0], $0xffff  }
0x96: {  	s24 =	sadd.s32 $0x80, s24;
	s22 =	sadd.s32 $0x80, s22;
	v9 =	vadd.f32 v10, v1;
	v4 =	vld.idx.msk [tilespmem:v15+s3+$0x0], $0xffff  }
0x97: {  	v7 =	vadd.f32 v7, v1;
	[tilespmem:s22+$0x30] =	vst v8  }
0x98: {  	v6 =	vadd.f32 v6, v1;
	[tilespmem:s22+$0xFFFFFFD0] =	vst v9  }
0x99: {  	v5 =	vadd.f32 v5, v1;
	[tilespmem:s22+$0xFFFFFFE0] =	vst v7  }
0x9a: {  	[tilespmem:s22+$0xFFFFFFF0] =	vst v6;
	v3 =	vadd.f32 v3, v1  }
0x9b: {  	[tilespmem:s22+$0x0] =	vst v5;
	v2 =	vadd.f32 v2, v1  }
0x9c: {  	v4 =	vadd.f32 v4, v1;
	[tilespmem:s22+$0x10] =	vst v3  }
0x9d: {  	[tilespmem:s22+$0x20] =	vst v2  }
0x9e: {  	[tilespmem:s22+$0xFFFFFFC0] =	vst v4  }
0x9f: {  	[hbm4b:s6+s11] =	stream.strided.scatter [tilespmem:s18], [sflag:$0x3], $0x1000, s12, s11, $0x38;
	[tilespmem:$0x1E780] =	vst v63  }
0xa0: {  	_ =	swait.ge [sflag:s20], $0x1000  }
0xa1: {  	[sflag:s20] =	ssyncset.done $0x0  }
0xa2: {  	s31 =	simm.s32 $0x1B770;
	[sflag:s20] =	ssyncadd.s32 $0xFFFFF000  }
0xa3: {  	v2 =	vld [tilespmem:s31+$0x0]  }
0xa4: {  	v3 =	vld [tilespmem:s31+$0xFFFFFFA0]  }
0xa5: {  	v4 =	vld [tilespmem:s31+$0xFFFFFFB0]  }
0xa6: {  	v5 =	vld [tilespmem:s31+$0xFFFFFFC0]  }
0xa7: {  	v8 =	vld [tilespmem:s31+$0xFFFFFFD0]  }
0xa8: {  	v9 =	vld [tilespmem:s31+$0xFFFFFFE0]  }
0xa9: {  	v10 =	vld [tilespmem:s31+$0xFFFFFFF0]  }
0xaa: {  	v11 =	vld [tilespmem:s31+$0xFFFFFF90]  }
0xab: {  	v12 =	vld.idx.msk [tilespmem:v2+s3+$0x0], $0xffff  }
0xac: {  	v13 =	vld.idx.msk [tilespmem:v3+s3+$0x0], $0xffff  }
0xad: {  	v7 =	vld.idx.msk [tilespmem:v4+s3+$0x0], $0xffff  }
0xae: {  	v6 =	vld.idx.msk [tilespmem:v5+s3+$0x0], $0xffff  }
0xaf: {  	v5 =	vld.idx.msk [tilespmem:v8+s3+$0x0], $0xffff  }
0xb0: {  	v3 =	vld.idx.msk [tilespmem:v9+s3+$0x0], $0xffff  }
0xb1: {  	v2 =	vld.idx.msk [tilespmem:v10+s3+$0x0], $0xffff;
	v8 =	vadd.f32 v12, v1  }
0xb2: {  	s23 =	simm.s32 $0x0;
	s24 =	simm.s32 $0x1B7F0;
	s22 =	simm.s32 $0x1D770;
	v4 =	vld.idx.msk [tilespmem:v11+s3+$0x0], $0xffff;
	v9 =	vadd.f32 v13, v1  }
.LBB2_9:
0xb3: {  	v10 =	vld [tilespmem:s24+$0x0];
	s23 =	sadd.s32 $0x80, s23;
	v7 =	vadd.f32 v7, v1;
	[tilespmem:s22+$0x0] =	vst v8  }
0xb4: {  	v6 =	vadd.f32 v6, v1;
	v8 =	vld [tilespmem:s24+$0xFFFFFFA0];
	p0 =	slt.u32 s23, $0xF80;
	[tilespmem:s22+$0xFFFFFFA0] =	vst v9  }
0xb5: {  	v5 =	vadd.f32 v5, v1;
	v9 =	vld [tilespmem:s24+$0xFFFFFFB0];
	[tilespmem:s22+$0xFFFFFFB0] =	vst v7  }
0xb6: {  	v3 =	vadd.f32 v3, v1;
	v11 =	vld [tilespmem:s24+$0xFFFFFFC0];
	[tilespmem:s22+$0xFFFFFFC0] =	vst v6  }
0xb7: {  	v2 =	vadd.f32 v2, v1;
	v12 =	vld [tilespmem:s24+$0xFFFFFFD0];
	[tilespmem:s22+$0xFFFFFFD0] =	vst v5  }
0xb8: {  	v4 =	vadd.f32 v4, v1;
	v13 =	vld [tilespmem:s24+$0xFFFFFFE0];
	[tilespmem:s22+$0xFFFFFFE0] =	vst v3  }
0xb9: {  	v14 =	vld [tilespmem:s24+$0xFFFFFFF0];
	[tilespmem:s22+$0xFFFFFFF0] =	vst v2  }
0xba: {  	v15 =	vld [tilespmem:s24+$0xFFFFFF90];
	[tilespmem:s22+$0xFFFFFF90] =	vst v4  }
0xbb: {  	v4 =	vld.idx.msk [tilespmem:v10+s3+$0x0], $0xffff  }
0xbc: {  	v10 =	vld.idx.msk [tilespmem:v8+s3+$0x0], $0xffff  }
0xbd: {  	v7 =	vld.idx.msk [tilespmem:v9+s3+$0x0], $0xffff  }
.Ltmp4:
0xbe: {  	v6 =	vld.idx.msk [tilespmem:v11+s3+$0x0], $0xffff;
	(pc) =	sbr.rel @p0 .LBB2_9-.Ltmp4, $4  }
0xbf: {  	v5 =	vld.idx.msk [tilespmem:v12+s3+$0x0], $0xffff  }
0xc0: {  	v3 =	vld.idx.msk [tilespmem:v13+s3+$0x0], $0xffff  }
0xc1: {  	v8 =	vadd.f32 v4, v1;
	v2 =	vld.idx.msk [tilespmem:v14+s3+$0x0], $0xffff  }
0xc2: {  	s24 =	sadd.s32 $0x80, s24;
	s22 =	sadd.s32 $0x80, s22;
	v9 =	vadd.f32 v10, v1;
	v4 =	vld.idx.msk [tilespmem:v15+s3+$0x0], $0xffff  }
0xc3: {  	v7 =	vadd.f32 v7, v1;
	[tilespmem:s22+$0x0] =	vst v8  }
0xc4: {  	v6 =	vadd.f32 v6, v1;
	[tilespmem:s22+$0xFFFFFFA0] =	vst v9  }
0xc5: {  	v5 =	vadd.f32 v5, v1;
	[tilespmem:s22+$0xFFFFFFB0] =	vst v7  }
0xc6: {  	[tilespmem:s22+$0xFFFFFFC0] =	vst v6;
	v3 =	vadd.f32 v3, v1  }
0xc7: {  	[tilespmem:s22+$0xFFFFFFD0] =	vst v5;
	v2 =	vadd.f32 v2, v1  }
0xc8: {  	v1 =	vadd.f32 v4, v1;
	[tilespmem:s22+$0xFFFFFFE0] =	vst v3  }
0xc9: {  	[tilespmem:s22+$0xFFFFFFF0] =	vst v2  }
0xca: {  	s21 =	sadd.s32 $0x1, s21;
	[tilespmem:s22+$0xFFFFFF90] =	vst v1  }
0xcb: {  	[hbm4b:s7+s11] =	stream.strided.scatter [tilespmem:s19], [sflag:$0x4], $0x1000, s12, s11, $0x38;
	[tilespmem:$0x1E780] =	vst v63  }
0xcc: {  	p0 =	sne.s32 s21, s10;
	_ =	swait.ge [sflag:s15], $0x1000  }
.Ltmp5:
0xcd: {  	[sflag:s15] =	ssyncset.done $0x0;
	(pc) =	sbr.rel @p0 .LBB2_2-.Ltmp5, $4  }
0xce: {  	[sflag:s15] =	ssyncadd.s32 $0xFFFFF000  }
0xcf: {  	_ =	swait.ge [sflag:s20], $0x1000  }
0xd0: {  	[sflag:s20] =	ssyncset.done $0x0  }
0xd1: {  	[sflag:s20] =	ssyncadd.s32 $0xFFFFF000  }
.LBB2_11:
0xd2: {  	_ =	sfence.sel $0x180000  }
0xd3: {  	[bflag:$0x0] =	sbarrier.arrive $0xFFFF  }
0xd4: {  	p0 =	sne.s32 s1, $0x0;
	_ =	strace $0x90000047  }
0xd5: {  	s0 =	sadd.s32 @!p0 $0x100000, s0;
	[bflag:$0x2] =	sbarrier.arrive $0xFFFF  }
0xd6: {  	[sflag:s0] =	ssyncadd.tile.s32 @!p0 $0x1;
	_ =	shalt  }
.Lfunc_end2:
_tile_overlayer_lowered:
.L_overlay_start_2:
0xd7: {  	(tag) =	ssettag $0x2  }
0xd8: {  	s0 =	rddreg [dreg:$0x0];
	s2 =	stileid.u32  }
0xd9: {  	s1 =	rddreg [dreg:$0x1];
	p0 =	sne.s32 s2, $0x0  }
0xda: {  	s3 =	rddreg [dreg:$0x2];
	[bflag:$0x3] =	sbarrier.arrive $0xFFFF;
	s2 =	simm.s32 @!p0 $0x1C05  }
0xdb: {  	[timem:s3], [sflag:s2] =	dma.local @!p0 [hbm:s0], s1  }
0xdc: {  	s0 =	simm.s32 @!p0 $0x5  }
0xdd: {  	_ =	swait.ge @!p0 [sflag:s0], s1  }
0xde: {  	s1 =	ssub.s32 @!p0 $0x0, s1;
	[sflag:s0] =	ssyncset.done @!p0 $0x0  }
0xdf: {  	[sflag:s0] =	ssyncadd.s32 @!p0 s1  }
0xe0: {  	[bflag:$0x3] =	sbarrier.arrive $0xFFFF  }
0xe1: {  	_ =	shalt  }

</sc_bundles>
